<compile_context>
chip_gen: v7x
topology: tpu7x:2x2x1
jax: 0.10.2.dev20260603
libtpu: 0.0.44.dev20260713+nightly
codegen_flags: <defaults>
</compile_context>

<pallas_src>
import functools

import jax
import jax.numpy as jnp
from jax import lax
from jax.experimental import pallas as pl
from jax.experimental.pallas import tpu as pltpu
from jax.experimental.pallas import tpu_sc as plsc

_N_TOK = 65536
_D_IN = 96
_D_LAT = 32
_N_CB = 8192
_HALF = _N_CB // 2
_TB = 512
_EB = 2048
_NBLK = _N_TOK // _TB


def _enc_body(x_ref, w_ref, b_ref, ze_ref):
    ze_ref[...] = jnp.dot(x_ref[...], w_ref[...]) + b_ref[...]


def _vq_body(ze_ref, s_ref, c_ref, cb_ref, idx_ref, lsum_ref):
    z_e = ze_ref[...]
    cb = cb_ref[...]

    dot2 = jax.lax.dot_general(z_e + z_e, cb,
                               (((1,), (1,)), ((), ())))
    dist = (s_ref[...] + c_ref[...]) - dot2

    d1 = dist[:, :_HALF]
    d2 = dist[:, _HALF:]
    m1 = jnp.min(d1, axis=1)
    m2 = jnp.min(d2, axis=1)
    iota = jax.lax.broadcasted_iota(jnp.int32, (_TB, _HALF), 1).astype(jnp.float32)
    big = jnp.float32(3e38)
    i1 = jnp.min(jnp.where(d1 == m1[:, None], iota, big), axis=1).astype(jnp.int32)
    i2 = jnp.min(jnp.where(d2 == m2[:, None], iota, big), axis=1).astype(jnp.int32) + _HALF
    q1 = m1.astype(jnp.bfloat16).astype(jnp.float32)
    take2 = m2 < q1
    idx_ref[...] = jnp.where(take2, i2, i1)[:, None]
    msel = jnp.where(take2, m2, m1)
    lsum_ref[...] = jnp.sum(msel).reshape(1, 1, 1)


def _dec_body(cb_ref, w_ref, b_ref, part_ref, tab_ref, lsum_ref):
    cb = cb_ref[...]
    dec = jnp.dot(cb, w_ref[...]) + b_ref[...]
    tab_ref[...] = jnp.concatenate([cb, dec], axis=1)
    lsum_ref[...] = jnp.sum(part_ref[...]).reshape(1, 1)


def _make_gather():
    info = plsc.get_sparse_core_info()
    nw = info.num_cores * info.num_subcores
    b_per_w = _N_TOK // nw
    ch = 512
    n_ch = b_per_w // ch
    mesh = plsc.VectorSubcoreMesh(core_axis_name="c", subcore_axis_name="s")

    @functools.partial(
        pl.kernel, mesh=mesh,
        out_type=jax.ShapeDtypeStruct((_N_TOK, _D_LAT + _D_IN), jnp.float32),
        scratch_types=[
            pltpu.VMEM((ch,), jnp.int32),
            pltpu.VMEM((ch, _D_LAT + _D_IN), jnp.float32),
            pltpu.SemaphoreType.DMA,
        ],
        name="vq_gather",
    )
    def gather(tab_hbm, idx_hbm, out_hbm, idx_v, rows_v, sem):
        wid = lax.axis_index("s") * info.num_cores + lax.axis_index("c")
        base = wid * b_per_w
        for k in range(n_ch):
            off = base + k * ch
            pltpu.sync_copy(idx_hbm.at[pl.ds(off, ch)], idx_v)
            pltpu.async_copy(tab_hbm.at[idx_v], rows_v, sem).wait()
            pltpu.sync_copy(rows_v, out_hbm.at[pl.ds(off, ch)])

    return gather


_gather = _make_gather()


def kernel(x, enc_W, enc_b, dec_W, dec_b, codebook):
    z_e = pl.pallas_call(
        _enc_body,
        grid=(_N_TOK // _EB,),
        in_specs=[
            pl.BlockSpec((_EB, _D_IN), lambda i: (i, 0)),
            pl.BlockSpec((_D_IN, _D_LAT), lambda i: (0, 0)),
            pl.BlockSpec((1, _D_LAT), lambda i: (0, 0)),
        ],
        out_specs=pl.BlockSpec((_EB, _D_LAT), lambda i: (i, 0)),
        out_shape=jax.ShapeDtypeStruct((_N_TOK, _D_LAT), jnp.float32),
        compiler_params=pltpu.CompilerParams(
            dimension_semantics=("parallel",),
        ),
    )(x, enc_W, enc_b.reshape(1, _D_LAT))

    S = jnp.sum(z_e * z_e, axis=1).reshape(_N_TOK, 1)
    c = jnp.sum(codebook * codebook, axis=1).reshape(1, _N_CB)

    idx2d, lparts = pl.pallas_call(
        _vq_body,
        grid=(_NBLK,),
        in_specs=[
            pl.BlockSpec((_TB, _D_LAT), lambda i: (i, 0)),
            pl.BlockSpec((_TB, 1), lambda i: (i, 0)),
            pl.BlockSpec((1, _N_CB), lambda i: (0, 0)),
            pl.BlockSpec((_N_CB, _D_LAT), lambda i: (0, 0)),
        ],
        out_specs=[
            pl.BlockSpec((_TB, 1), lambda i: (i, 0)),
            pl.BlockSpec((1, 1, 1), lambda i: (i, 0, 0)),
        ],
        out_shape=[
            jax.ShapeDtypeStruct((_N_TOK, 1), jnp.int32),
            jax.ShapeDtypeStruct((_NBLK, 1, 1), jnp.float32),
        ],
        compiler_params=pltpu.CompilerParams(
            dimension_semantics=("parallel",),
        ),
    )(z_e, S, c, codebook)

    table, lsum = pl.pallas_call(
        _dec_body,
        grid=(1,),
        in_specs=[
            pl.BlockSpec((_N_CB, _D_LAT), lambda i: (0, 0)),
            pl.BlockSpec((_D_LAT, _D_IN), lambda i: (0, 0)),
            pl.BlockSpec((1, _D_IN), lambda i: (0, 0)),
            pl.BlockSpec((_NBLK, 1, 1), lambda i: (0, 0, 0)),
        ],
        out_specs=[
            pl.BlockSpec((_N_CB, _D_LAT + _D_IN), lambda i: (0, 0)),
            pl.BlockSpec((1, 1), lambda i: (0, 0)),
        ],
        out_shape=[
            jax.ShapeDtypeStruct((_N_CB, _D_LAT + _D_IN), jnp.float32),
            jax.ShapeDtypeStruct((1, 1), jnp.float32),
        ],
    )(codebook, dec_W, dec_b.reshape(1, _D_IN), lparts)

    encode_indices = idx2d.reshape(_N_TOK)
    rows = _gather(table, encode_indices)
    z_q = rows[:, :_D_LAT]
    recons = rows[:, _D_LAT:]

    loss = lsum[0, 0] / (_N_TOK * _D_LAT)
    return (recons, z_q, loss, loss, encode_indices)

# --- scband reference (transcript-rebuilt; emitter-appended) ---
"""Pipeline reference for scband-vq-vae-model-62697932587087 (READ-ONLY COPY).

The authoritative reference and input builder live on the scoring server;
editing this copy changes nothing except your own understanding.
"""

import jax, jax.numpy as jnp
import numpy as np

LATENT_DIM = 32
NUM_EMBEDDINGS = 8192
INPUT_DIM = 96
N_TOKENS = 65536
BETA = 1.0

# NOTE: VQVAEencoder/VQVAEdecoder are undefined in the source; we model them as
# single linear layers input_dim->latent_dim and latent_dim->input_dim, which is
# the minimal faithful stand-in operating on flattened tokens.

def setup_inputs(seed: int = 0) -> dict:
    key = jax.random.key(seed)
    ks = jax.random.split(key, 6)
    x = jax.random.normal(ks[0], (N_TOKENS, INPUT_DIM), dtype=jnp.float32)
    enc_W = jax.random.normal(ks[1], (INPUT_DIM, LATENT_DIM), dtype=jnp.float32) * (1.0 / np.sqrt(INPUT_DIM))
    enc_b = jnp.zeros((LATENT_DIM,), dtype=jnp.float32)
    dec_W = jax.random.normal(ks[2], (LATENT_DIM, INPUT_DIM), dtype=jnp.float32) * (1.0 / np.sqrt(LATENT_DIM))
    dec_b = jnp.zeros((INPUT_DIM,), dtype=jnp.float32)
    codebook = jax.random.uniform(ks[3], (NUM_EMBEDDINGS, LATENT_DIM), dtype=jnp.float32, minval=-1.0 / NUM_EMBEDDINGS, maxval=1.0 / NUM_EMBEDDINGS)
    return {"x": x, "enc_W": enc_W, "enc_b": enc_b, "dec_W": dec_W, "dec_b": dec_b, "codebook": codebook}


def reference(x, enc_W, enc_b, dec_W, dec_b, codebook):
    # encoder
    z_e = x @ enc_W + enc_b
    # quantise (is_training=True path): pairwise squared L2 distances
    distance = (jnp.sum(z_e ** 2, axis=1, keepdims=True)
                + jnp.sum(codebook ** 2, axis=1)
                - 2.0 * (z_e @ codebook.T))
    encode_indices = jnp.argmin(distance, axis=1)
    z_q = jnp.take(codebook, encode_indices, axis=0)  # F.embedding -> gather
    vq_loss = jnp.mean((z_q - jax.lax.stop_gradient(z_e)) ** 2)
    commitment_loss = jnp.mean((jax.lax.stop_gradient(z_q) - z_e) ** 2)
    z_q_st = z_e + jax.lax.stop_gradient(z_q - z_e)  # straight-through (returned by quantise, unused by forward)
    # decoder (original forward decodes z_q, not z_q_st)
    recons = z_q @ dec_W + dec_b
    return (recons, z_q, vq_loss, commitment_loss, encode_indices)

if __name__ == "__main__":
    import jax
    _d = setup_inputs()
    print(jax.jit(kernel)(*tuple(_d.values())))

</pallas_src>

<mosaic_0001>
#map = affine_map<(d0, d1) -> (0, 0)>
#map1 = affine_map<(d0, d1) -> (0)>
module attributes {stable_mosaic.version = 14 : i64} {
  func.func @vq_gather(%arg0: i32, %arg1: i32, %arg2: memref<8192x128xf32, #tpu.memory_space<hbm>>, %arg3: memref<65536xi32, #tpu.memory_space<hbm>>, %arg4: memref<65536x128xf32, #tpu.memory_space<hbm>>, %arg5: memref<512xi32, #tpu.memory_space<vmem>>, %arg6: memref<512x128xf32, #tpu.memory_space<vmem>>, %arg7: memref<!tpu.dma_semaphore, #tpu.memory_space<semaphore_mem>>) attributes {dimension_semantics = [#tpu.dimension_semantics<core_parallel>, #tpu.dimension_semantics<subcore_parallel>], iteration_bounds = array<i64: 2, 16>, scalar_prefetch = 0 : i64, scratch_operands = 3 : i64, tpu.core_type = #tpu.core_type<sc_vector_subcore>, window_params = [{transform_indices = #map}, {transform_indices = #map1}, {transform_indices = #map}]} {
    %mul3A = arith.constant 2 : i32
    %mul3A_0 = arith.muli %arg1, %mul3A : i32
    %add3A = arith.addi %mul3A_0, %arg0 : i32
    %mul3A_1 = arith.constant 2048 : i32
    %mul3A_2 = arith.muli %add3A, %mul3A_1 : i32
    %add3A_3 = arith.constant 0 : i32
    %add3A_4 = arith.addi %mul3A_2, %add3A_3 : i32
    "tpu.region"() ({
      %run_scoped3A = tpu.sem_alloc : memref<!tpu.dma_semaphore, #tpu.memory_space<semaphore_mem>>
      %dma_start3A_33 = tpu.memref_slice %arg3[%add3A_4] : memref<65536xi32, #tpu.memory_space<hbm>> -> memref<512xi32, #tpu.memory_space<hbm>>
      %dma_start3A_34 = tpu.memref_slice %arg3[%add3A_4] : memref<65536xi32, #tpu.memory_space<hbm>> -> memref<512xi32, #tpu.memory_space<hbm>>
      tpu.enqueue_dma source(%dma_start3A_34 : memref<512xi32, #tpu.memory_space<hbm>>) target(%arg5 : memref<512xi32, #tpu.memory_space<vmem>>) target_semaphore(%run_scoped3A : memref<!tpu.dma_semaphore, #tpu.memory_space<semaphore_mem>>)
      %dma_wait3A_35 = tpu.memref_slice %arg3[%add3A_4] : memref<65536xi32, #tpu.memory_space<hbm>> -> memref<512xi32, #tpu.memory_space<hbm>>
      %dma_wait3A_36 = tpu.memref_slice %arg3[%add3A_4] : memref<65536xi32, #tpu.memory_space<hbm>> -> memref<512xi32, #tpu.memory_space<hbm>>
      tpu.wait_dma2 semaphore(%run_scoped3A : memref<!tpu.dma_semaphore, #tpu.memory_space<semaphore_mem>>) src(%dma_wait3A_36 : memref<512xi32, #tpu.memory_space<hbm>>) dst(%arg5 : memref<512xi32, #tpu.memory_space<vmem>>)
      tpu.yield
    }) : () -> ()
    %dma_start3A = arith.constant 0 : i32
    %dma_start3A_5 = arith.constant 0 : i32
    %dma_start3A_6 = tpu.memref_slice %arg2[%dma_start3A, %dma_start3A_5] : memref<8192x128xf32, #tpu.memory_space<hbm>> -> memref<8192x128xf32, #tpu.memory_space<hbm>>
    tpu.enqueue_indirect_dma source(%dma_start3A_6 : memref<8192x128xf32, #tpu.memory_space<hbm>>) target(%arg6 : memref<512x128xf32, #tpu.memory_space<vmem>>) offsets(%arg5 : memref<512xi32, #tpu.memory_space<vmem>>) semaphore(%arg7 : memref<!tpu.dma_semaphore, #tpu.memory_space<semaphore_mem>>)
    %dma_wait3A = arith.constant 0 : i32
    %dma_wait3A_7 = arith.constant 0 : i32
    %dma_wait3A_8 = tpu.memref_slice %arg2[%dma_wait3A, %dma_wait3A_7] : memref<8192x128xf32, #tpu.memory_space<hbm>> -> memref<8192x128xf32, #tpu.memory_space<hbm>>
    tpu.wait_indirect_dma semaphore(%arg7 : memref<!tpu.dma_semaphore, #tpu.memory_space<semaphore_mem>>) src(%dma_wait3A_8 : memref<8192x128xf32, #tpu.memory_space<hbm>>) dst(%arg6 : memref<512x128xf32, #tpu.memory_space<vmem>>)
    "tpu.region"() ({
      %run_scoped3A = tpu.sem_alloc : memref<!tpu.dma_semaphore, #tpu.memory_space<semaphore_mem>>
      %dma_start3A_33 = arith.constant 0 : i32
      %dma_start3A_34 = tpu.memref_slice %arg4[%add3A_4, %dma_start3A_33] : memref<65536x128xf32, #tpu.memory_space<hbm>> -> memref<512x128xf32, #tpu.memory_space<hbm>>
      %dma_start3A_35 = arith.constant 0 : i32
      %dma_start3A_36 = tpu.memref_slice %arg4[%add3A_4, %dma_start3A_35] : memref<65536x128xf32, #tpu.memory_space<hbm>> -> memref<512x128xf32, #tpu.memory_space<hbm>>
      tpu.enqueue_dma source(%arg6 : memref<512x128xf32, #tpu.memory_space<vmem>>) target(%dma_start3A_36 : memref<512x128xf32, #tpu.memory_space<hbm>>) target_semaphore(%run_scoped3A : memref<!tpu.dma_semaphore, #tpu.memory_space<semaphore_mem>>)
      %dma_wait3A_37 = arith.constant 0 : i32
      %dma_wait3A_38 = tpu.memref_slice %arg4[%add3A_4, %dma_wait3A_37] : memref<65536x128xf32, #tpu.memory_space<hbm>> -> memref<512x128xf32, #tpu.memory_space<hbm>>
      %dma_wait3A_39 = arith.constant 0 : i32
      %dma_wait3A_40 = tpu.memref_slice %arg4[%add3A_4, %dma_wait3A_39] : memref<65536x128xf32, #tpu.memory_space<hbm>> -> memref<512x128xf32, #tpu.memory_space<hbm>>
      tpu.wait_dma2 semaphore(%run_scoped3A : memref<!tpu.dma_semaphore, #tpu.memory_space<semaphore_mem>>) src(%arg6 : memref<512x128xf32, #tpu.memory_space<vmem>>) dst(%dma_wait3A_40 : memref<512x128xf32, #tpu.memory_space<hbm>>)
      tpu.yield
    }) : () -> ()
    %add3A_9 = arith.constant 512 : i32
    %add3A_10 = arith.addi %mul3A_2, %add3A_9 : i32
    "tpu.region"() ({
      %run_scoped3A = tpu.sem_alloc : memref<!tpu.dma_semaphore, #tpu.memory_space<semaphore_mem>>
      %dma_start3A_33 = tpu.memref_slice %arg3[%add3A_10] : memref<65536xi32, #tpu.memory_space<hbm>> -> memref<512xi32, #tpu.memory_space<hbm>>
      %dma_start3A_34 = tpu.memref_slice %arg3[%add3A_10] : memref<65536xi32, #tpu.memory_space<hbm>> -> memref<512xi32, #tpu.memory_space<hbm>>
      tpu.enqueue_dma source(%dma_start3A_34 : memref<512xi32, #tpu.memory_space<hbm>>) target(%arg5 : memref<512xi32, #tpu.memory_space<vmem>>) target_semaphore(%run_scoped3A : memref<!tpu.dma_semaphore, #tpu.memory_space<semaphore_mem>>)
      %dma_wait3A_35 = tpu.memref_slice %arg3[%add3A_10] : memref<65536xi32, #tpu.memory_space<hbm>> -> memref<512xi32, #tpu.memory_space<hbm>>
      %dma_wait3A_36 = tpu.memref_slice %arg3[%add3A_10] : memref<65536xi32, #tpu.memory_space<hbm>> -> memref<512xi32, #tpu.memory_space<hbm>>
      tpu.wait_dma2 semaphore(%run_scoped3A : memref<!tpu.dma_semaphore, #tpu.memory_space<semaphore_mem>>) src(%dma_wait3A_36 : memref<512xi32, #tpu.memory_space<hbm>>) dst(%arg5 : memref<512xi32, #tpu.memory_space<vmem>>)
      tpu.yield
    }) : () -> ()
    %dma_start3A_11 = arith.constant 0 : i32
    %dma_start3A_12 = arith.constant 0 : i32
    %dma_start3A_13 = tpu.memref_slice %arg2[%dma_start3A_11, %dma_start3A_12] : memref<8192x128xf32, #tpu.memory_space<hbm>> -> memref<8192x128xf32, #tpu.memory_space<hbm>>
    tpu.enqueue_indirect_dma source(%dma_start3A_13 : memref<8192x128xf32, #tpu.memory_space<hbm>>) target(%arg6 : memref<512x128xf32, #tpu.memory_space<vmem>>) offsets(%arg5 : memref<512xi32, #tpu.memory_space<vmem>>) semaphore(%arg7 : memref<!tpu.dma_semaphore, #tpu.memory_space<semaphore_mem>>)
    %dma_wait3A_14 = arith.constant 0 : i32
    %dma_wait3A_15 = arith.constant 0 : i32
    %dma_wait3A_16 = tpu.memref_slice %arg2[%dma_wait3A_14, %dma_wait3A_15] : memref<8192x128xf32, #tpu.memory_space<hbm>> -> memref<8192x128xf32, #tpu.memory_space<hbm>>
    tpu.wait_indirect_dma semaphore(%arg7 : memref<!tpu.dma_semaphore, #tpu.memory_space<semaphore_mem>>) src(%dma_wait3A_16 : memref<8192x128xf32, #tpu.memory_space<hbm>>) dst(%arg6 : memref<512x128xf32, #tpu.memory_space<vmem>>)
    "tpu.region"() ({
      %run_scoped3A = tpu.sem_alloc : memref<!tpu.dma_semaphore, #tpu.memory_space<semaphore_mem>>
      %dma_start3A_33 = arith.constant 0 : i32
      %dma_start3A_34 = tpu.memref_slice %arg4[%add3A_10, %dma_start3A_33] : memref<65536x128xf32, #tpu.memory_space<hbm>> -> memref<512x128xf32, #tpu.memory_space<hbm>>
      %dma_start3A_35 = arith.constant 0 : i32
      %dma_start3A_36 = tpu.memref_slice %arg4[%add3A_10, %dma_start3A_35] : memref<65536x128xf32, #tpu.memory_space<hbm>> -> memref<512x128xf32, #tpu.memory_space<hbm>>
      tpu.enqueue_dma source(%arg6 : memref<512x128xf32, #tpu.memory_space<vmem>>) target(%dma_start3A_36 : memref<512x128xf32, #tpu.memory_space<hbm>>) target_semaphore(%run_scoped3A : memref<!tpu.dma_semaphore, #tpu.memory_space<semaphore_mem>>)
      %dma_wait3A_37 = arith.constant 0 : i32
      %dma_wait3A_38 = tpu.memref_slice %arg4[%add3A_10, %dma_wait3A_37] : memref<65536x128xf32, #tpu.memory_space<hbm>> -> memref<512x128xf32, #tpu.memory_space<hbm>>
      %dma_wait3A_39 = arith.constant 0 : i32
      %dma_wait3A_40 = tpu.memref_slice %arg4[%add3A_10, %dma_wait3A_39] : memref<65536x128xf32, #tpu.memory_space<hbm>> -> memref<512x128xf32, #tpu.memory_space<hbm>>
      tpu.wait_dma2 semaphore(%run_scoped3A : memref<!tpu.dma_semaphore, #tpu.memory_space<semaphore_mem>>) src(%arg6 : memref<512x128xf32, #tpu.memory_space<vmem>>) dst(%dma_wait3A_40 : memref<512x128xf32, #tpu.memory_space<hbm>>)
      tpu.yield
    }) : () -> ()
    %add3A_17 = arith.constant 1024 : i32
    %add3A_18 = arith.addi %mul3A_2, %add3A_17 : i32
    "tpu.region"() ({
      %run_scoped3A = tpu.sem_alloc : memref<!tpu.dma_semaphore, #tpu.memory_space<semaphore_mem>>
      %dma_start3A_33 = tpu.memref_slice %arg3[%add3A_18] : memref<65536xi32, #tpu.memory_space<hbm>> -> memref<512xi32, #tpu.memory_space<hbm>>
      %dma_start3A_34 = tpu.memref_slice %arg3[%add3A_18] : memref<65536xi32, #tpu.memory_space<hbm>> -> memref<512xi32, #tpu.memory_space<hbm>>
      tpu.enqueue_dma source(%dma_start3A_34 : memref<512xi32, #tpu.memory_space<hbm>>) target(%arg5 : memref<512xi32, #tpu.memory_space<vmem>>) target_semaphore(%run_scoped3A : memref<!tpu.dma_semaphore, #tpu.memory_space<semaphore_mem>>)
      %dma_wait3A_35 = tpu.memref_slice %arg3[%add3A_18] : memref<65536xi32, #tpu.memory_space<hbm>> -> memref<512xi32, #tpu.memory_space<hbm>>
      %dma_wait3A_36 = tpu.memref_slice %arg3[%add3A_18] : memref<65536xi32, #tpu.memory_space<hbm>> -> memref<512xi32, #tpu.memory_space<hbm>>
      tpu.wait_dma2 semaphore(%run_scoped3A : memref<!tpu.dma_semaphore, #tpu.memory_space<semaphore_mem>>) src(%dma_wait3A_36 : memref<512xi32, #tpu.memory_space<hbm>>) dst(%arg5 : memref<512xi32, #tpu.memory_space<vmem>>)
      tpu.yield
    }) : () -> ()
    %dma_start3A_19 = arith.constant 0 : i32
    %dma_start3A_20 = arith.constant 0 : i32
    %dma_start3A_21 = tpu.memref_slice %arg2[%dma_start3A_19, %dma_start3A_20] : memref<8192x128xf32, #tpu.memory_space<hbm>> -> memref<8192x128xf32, #tpu.memory_space<hbm>>
    tpu.enqueue_indirect_dma source(%dma_start3A_21 : memref<8192x128xf32, #tpu.memory_space<hbm>>) target(%arg6 : memref<512x128xf32, #tpu.memory_space<vmem>>) offsets(%arg5 : memref<512xi32, #tpu.memory_space<vmem>>) semaphore(%arg7 : memref<!tpu.dma_semaphore, #tpu.memory_space<semaphore_mem>>)
    %dma_wait3A_22 = arith.constant 0 : i32
    %dma_wait3A_23 = arith.constant 0 : i32
    %dma_wait3A_24 = tpu.memref_slice %arg2[%dma_wait3A_22, %dma_wait3A_23] : memref<8192x128xf32, #tpu.memory_space<hbm>> -> memref<8192x128xf32, #tpu.memory_space<hbm>>
    tpu.wait_indirect_dma semaphore(%arg7 : memref<!tpu.dma_semaphore, #tpu.memory_space<semaphore_mem>>) src(%dma_wait3A_24 : memref<8192x128xf32, #tpu.memory_space<hbm>>) dst(%arg6 : memref<512x128xf32, #tpu.memory_space<vmem>>)
    "tpu.region"() ({
      %run_scoped3A = tpu.sem_alloc : memref<!tpu.dma_semaphore, #tpu.memory_space<semaphore_mem>>
      %dma_start3A_33 = arith.constant 0 : i32
      %dma_start3A_34 = tpu.memref_slice %arg4[%add3A_18, %dma_start3A_33] : memref<65536x128xf32, #tpu.memory_space<hbm>> -> memref<512x128xf32, #tpu.memory_space<hbm>>
      %dma_start3A_35 = arith.constant 0 : i32
      %dma_start3A_36 = tpu.memref_slice %arg4[%add3A_18, %dma_start3A_35] : memref<65536x128xf32, #tpu.memory_space<hbm>> -> memref<512x128xf32, #tpu.memory_space<hbm>>
      tpu.enqueue_dma source(%arg6 : memref<512x128xf32, #tpu.memory_space<vmem>>) target(%dma_start3A_36 : memref<512x128xf32, #tpu.memory_space<hbm>>) target_semaphore(%run_scoped3A : memref<!tpu.dma_semaphore, #tpu.memory_space<semaphore_mem>>)
      %dma_wait3A_37 = arith.constant 0 : i32
      %dma_wait3A_38 = tpu.memref_slice %arg4[%add3A_18, %dma_wait3A_37] : memref<65536x128xf32, #tpu.memory_space<hbm>> -> memref<512x128xf32, #tpu.memory_space<hbm>>
      %dma_wait3A_39 = arith.constant 0 : i32
      %dma_wait3A_40 = tpu.memref_slice %arg4[%add3A_18, %dma_wait3A_39] : memref<65536x128xf32, #tpu.memory_space<hbm>> -> memref<512x128xf32, #tpu.memory_space<hbm>>
      tpu.wait_dma2 semaphore(%run_scoped3A : memref<!tpu.dma_semaphore, #tpu.memory_space<semaphore_mem>>) src(%arg6 : memref<512x128xf32, #tpu.memory_space<vmem>>) dst(%dma_wait3A_40 : memref<512x128xf32, #tpu.memory_space<hbm>>)
      tpu.yield
    }) : () -> ()
    %add3A_25 = arith.constant 1536 : i32
    %add3A_26 = arith.addi %mul3A_2, %add3A_25 : i32
    "tpu.region"() ({
      %run_scoped3A = tpu.sem_alloc : memref<!tpu.dma_semaphore, #tpu.memory_space<semaphore_mem>>
      %dma_start3A_33 = tpu.memref_slice %arg3[%add3A_26] : memref<65536xi32, #tpu.memory_space<hbm>> -> memref<512xi32, #tpu.memory_space<hbm>>
      %dma_start3A_34 = tpu.memref_slice %arg3[%add3A_26] : memref<65536xi32, #tpu.memory_space<hbm>> -> memref<512xi32, #tpu.memory_space<hbm>>
      tpu.enqueue_dma source(%dma_start3A_34 : memref<512xi32, #tpu.memory_space<hbm>>) target(%arg5 : memref<512xi32, #tpu.memory_space<vmem>>) target_semaphore(%run_scoped3A : memref<!tpu.dma_semaphore, #tpu.memory_space<semaphore_mem>>)
      %dma_wait3A_35 = tpu.memref_slice %arg3[%add3A_26] : memref<65536xi32, #tpu.memory_space<hbm>> -> memref<512xi32, #tpu.memory_space<hbm>>
      %dma_wait3A_36 = tpu.memref_slice %arg3[%add3A_26] : memref<65536xi32, #tpu.memory_space<hbm>> -> memref<512xi32, #tpu.memory_space<hbm>>
      tpu.wait_dma2 semaphore(%run_scoped3A : memref<!tpu.dma_semaphore, #tpu.memory_space<semaphore_mem>>) src(%dma_wait3A_36 : memref<512xi32, #tpu.memory_space<hbm>>) dst(%arg5 : memref<512xi32, #tpu.memory_space<vmem>>)
      tpu.yield
    }) : () -> ()
    %dma_start3A_27 = arith.constant 0 : i32
    %dma_start3A_28 = arith.constant 0 : i32
    %dma_start3A_29 = tpu.memref_slice %arg2[%dma_start3A_27, %dma_start3A_28] : memref<8192x128xf32, #tpu.memory_space<hbm>> -> memref<8192x128xf32, #tpu.memory_space<hbm>>
    tpu.enqueue_indirect_dma source(%dma_start3A_29 : memref<8192x128xf32, #tpu.memory_space<hbm>>) target(%arg6 : memref<512x128xf32, #tpu.memory_space<vmem>>) offsets(%arg5 : memref<512xi32, #tpu.memory_space<vmem>>) semaphore(%arg7 : memref<!tpu.dma_semaphore, #tpu.memory_space<semaphore_mem>>)
    %dma_wait3A_30 = arith.constant 0 : i32
    %dma_wait3A_31 = arith.constant 0 : i32
    %dma_wait3A_32 = tpu.memref_slice %arg2[%dma_wait3A_30, %dma_wait3A_31] : memref<8192x128xf32, #tpu.memory_space<hbm>> -> memref<8192x128xf32, #tpu.memory_space<hbm>>
    tpu.wait_indirect_dma semaphore(%arg7 : memref<!tpu.dma_semaphore, #tpu.memory_space<semaphore_mem>>) src(%dma_wait3A_32 : memref<8192x128xf32, #tpu.memory_space<hbm>>) dst(%arg6 : memref<512x128xf32, #tpu.memory_space<vmem>>)
    "tpu.region"() ({
      %run_scoped3A = tpu.sem_alloc : memref<!tpu.dma_semaphore, #tpu.memory_space<semaphore_mem>>
      %dma_start3A_33 = arith.constant 0 : i32
      %dma_start3A_34 = tpu.memref_slice %arg4[%add3A_26, %dma_start3A_33] : memref<65536x128xf32, #tpu.memory_space<hbm>> -> memref<512x128xf32, #tpu.memory_space<hbm>>
      %dma_start3A_35 = arith.constant 0 : i32
      %dma_start3A_36 = tpu.memref_slice %arg4[%add3A_26, %dma_start3A_35] : memref<65536x128xf32, #tpu.memory_space<hbm>> -> memref<512x128xf32, #tpu.memory_space<hbm>>
      tpu.enqueue_dma source(%arg6 : memref<512x128xf32, #tpu.memory_space<vmem>>) target(%dma_start3A_36 : memref<512x128xf32, #tpu.memory_space<hbm>>) target_semaphore(%run_scoped3A : memref<!tpu.dma_semaphore, #tpu.memory_space<semaphore_mem>>)
      %dma_wait3A_37 = arith.constant 0 : i32
      %dma_wait3A_38 = tpu.memref_slice %arg4[%add3A_26, %dma_wait3A_37] : memref<65536x128xf32, #tpu.memory_space<hbm>> -> memref<512x128xf32, #tpu.memory_space<hbm>>
      %dma_wait3A_39 = arith.constant 0 : i32
      %dma_wait3A_40 = tpu.memref_slice %arg4[%add3A_26, %dma_wait3A_39] : memref<65536x128xf32, #tpu.memory_space<hbm>> -> memref<512x128xf32, #tpu.memory_space<hbm>>
      tpu.wait_dma2 semaphore(%run_scoped3A : memref<!tpu.dma_semaphore, #tpu.memory_space<semaphore_mem>>) src(%arg6 : memref<512x128xf32, #tpu.memory_space<vmem>>) dst(%dma_wait3A_40 : memref<512x128xf32, #tpu.memory_space<hbm>>)
      tpu.yield
    }) : () -> ()
    return
  }
}

module attributes {stable_mosaic.version = 14 : i64} {
  func.func @_enc_body(%arg0: i32, %arg1: memref<2048x96xf32, #tpu.memory_space<vmem>>, %arg2: memref<96x32xf32, #tpu.memory_space<vmem>>, %arg3: memref<1x32xf32, #tpu.memory_space<vmem>>, %arg4: memref<2048x32xf32, #tpu.memory_space<vmem>>) attributes {dimension_semantics = [#tpu.dimension_semantics<parallel>], iteration_bounds = array<i64: 32>, scalar_prefetch = 0 : i64, scratch_operands = 0 : i64, tpu.core_type = #tpu.core_type<tc>, window_params = [{transform_indices = @transform_0, window_bounds = array<i64: 2048, 96>}, {pipeline_mode = #tpu.pipeline_mode<synchronous>, transform_indices = @transform_1, window_bounds = array<i64: 96, 32>}, {pipeline_mode = #tpu.pipeline_mode<synchronous>, transform_indices = @transform_2, window_bounds = array<i64: 1, 32>}, {transform_indices = @transform_3, window_bounds = array<i64: 2048, 32>}]} {
    %get3A = arith.constant 0 : index
    %get3A_0 = arith.constant 0 : index
    %get3A_1 = vector.load %arg1[%get3A, %get3A_0] : memref<2048x96xf32, #tpu.memory_space<vmem>>, vector<2048x96xf32>
    %get3A_2 = arith.constant 0 : index
    %get3A_3 = arith.constant 0 : index
    %get3A_4 = vector.load %arg2[%get3A_2, %get3A_3] : memref<96x32xf32, #tpu.memory_space<vmem>>, vector<96x32xf32>
    %dot_general3A = arith.constant dense<0.000000e+00> : vector<2048x32xf32>
    %dot_general3A_5 = tpu.matmul %get3A_1, %get3A_4, %dot_general3A {dimension_numbers = #tpu.dot_dimension_numbers<[1], [0], [0], [1], [0, 0, 1, 1], [], []>, transpose_lhs_hint = false} : vector<2048x96xf32>, vector<96x32xf32>, vector<2048x32xf32> -> vector<2048x32xf32>
    %get3A_6 = arith.constant 0 : index
    %get3A_7 = arith.constant 0 : index
    %get3A_8 = vector.load %arg3[%get3A_6, %get3A_7] : memref<1x32xf32, #tpu.memory_space<vmem>>, vector<1x32xf32>
    %add3A = vector.broadcast %get3A_8 : vector<1x32xf32> to vector<2048x32xf32>
    %add3A_9 = arith.addf %dot_general3A_5, %add3A : vector<2048x32xf32>
    %swap3A = arith.constant 0 : index
    %swap3A_10 = arith.constant 0 : index
    %swap3A_11 = vector.load %arg4[%swap3A, %swap3A_10] : memref<2048x32xf32, #tpu.memory_space<vmem>>, vector<2048x32xf32>
    tpu.vector_store %arg4[%swap3A, %swap3A_10], %add3A_9 {strides = array<i32>} : memref<2048x32xf32, #tpu.memory_space<vmem>>, vector<2048x32xf32>,
    return
  }
  func.func @transform_0(%arg0: i32) -> (i32, i32) {
    %c0_i32 = arith.constant 0 : i32
    %c0_i32_0 = arith.constant 0 : i32
    return %arg0, %c0_i32 : i32, i32
  }
  func.func @transform_1(%arg0: i32) -> (i32, i32) {
    %c0_i32 = arith.constant 0 : i32
    %c0_i32_0 = arith.constant 0 : i32
    %c0_i32_1 = arith.constant 0 : i32
    return %c0_i32, %c0_i32_0 : i32, i32
  }
  func.func @transform_2(%arg0: i32) -> (i32, i32) {
    %c0_i32 = arith.constant 0 : i32
    %c0_i32_0 = arith.constant 0 : i32
    %c0_i32_1 = arith.constant 0 : i32
    return %c0_i32, %c0_i32_0 : i32, i32
  }
  func.func @transform_3(%arg0: i32) -> (i32, i32) {
    %c0_i32 = arith.constant 0 : i32
    %c0_i32_0 = arith.constant 0 : i32
    return %arg0, %c0_i32 : i32, i32
  }
}

module attributes {stable_mosaic.version = 14 : i64} {
  func.func @_vq_body(%arg0: i32, %arg1: memref<512x32xf32, #tpu.memory_space<vmem>>, %arg2: memref<512x1xf32, #tpu.memory_space<vmem>>, %arg3: memref<1x8192xf32, #tpu.memory_space<vmem>>, %arg4: memref<8192x32xf32, #tpu.memory_space<vmem>>, %arg5: memref<512x1xi32, #tpu.memory_space<vmem>>, %arg6: memref<1x1x1xf32, #tpu.memory_space<vmem>>) attributes {dimension_semantics = [#tpu.dimension_semantics<parallel>], iteration_bounds = array<i64: 128>, scalar_prefetch = 0 : i64, scratch_operands = 0 : i64, tpu.core_type = #tpu.core_type<tc>, window_params = [{transform_indices = @transform_0, window_bounds = array<i64: 512, 32>}, {transform_indices = @transform_1, window_bounds = array<i64: 512, 1>}, {pipeline_mode = #tpu.pipeline_mode<synchronous>, transform_indices = @transform_2, window_bounds = array<i64: 1, 8192>}, {pipeline_mode = #tpu.pipeline_mode<synchronous>, transform_indices = @transform_3, window_bounds = array<i64: 8192, 32>}, {transform_indices = @transform_4, window_bounds = array<i64: 512, 1>}, {transform_indices = @transform_5, window_bounds = array<i64: 1, 1, 1>}]} {
    %get3A = arith.constant 0 : index
    %get3A_0 = arith.constant 0 : index
    %get3A_1 = vector.load %arg1[%get3A, %get3A_0] : memref<512x32xf32, #tpu.memory_space<vmem>>, vector<512x32xf32>
    %get3A_2 = arith.constant 0 : index
    %get3A_3 = arith.constant 0 : index
    %get3A_4 = vector.load %arg4[%get3A_2, %get3A_3] : memref<8192x32xf32, #tpu.memory_space<vmem>>, vector<8192x32xf32>
    %add3A = arith.addf %get3A_1, %get3A_1 : vector<512x32xf32>
    %dot_general3A = arith.constant dense<0.000000e+00> : vector<512x8192xf32>
    %dot_general3A_5 = tpu.matmul %add3A, %get3A_4, %dot_general3A {dimension_numbers = #tpu.dot_dimension_numbers<[1], [1], [0], [0], [0, 0, 1, 0], [], []>, transpose_lhs_hint = false} : vector<512x32xf32>, vector<8192x32xf32>, vector<512x8192xf32> -> vector<512x8192xf32>
    %get3A_6 = arith.constant 0 : index
    %get3A_7 = arith.constant 0 : index
    %get3A_8 = vector.load %arg2[%get3A_6, %get3A_7] : memref<512x1xf32, #tpu.memory_space<vmem>>, vector<512x1xf32>
    %get3A_9 = arith.constant 0 : index
    %get3A_10 = arith.constant 0 : index
    %get3A_11 = vector.load %arg3[%get3A_9, %get3A_10] : memref<1x8192xf32, #tpu.memory_space<vmem>>, vector<1x8192xf32>
    %add3A_12 = vector.broadcast %get3A_8 : vector<512x1xf32> to vector<512x8192xf32>
    %add3A_13 = vector.broadcast %get3A_11 : vector<1x8192xf32> to vector<512x8192xf32>
    %add3A_14 = arith.addf %add3A_12, %add3A_13 : vector<512x8192xf32>
    %sub3A = arith.subf %add3A_14, %dot_general3A_5 : vector<512x8192xf32>
    %slice3A = vector.extract_strided_slice %sub3A {offsets = [0, 0], sizes = [512, 4096], strides = [1, 1]} : vector<512x8192xf32> to vector<512x4096xf32>
    %slice3A_15 = vector.extract_strided_slice %sub3A {offsets = [0, 4096], sizes = [512, 4096], strides = [1, 1]} : vector<512x8192xf32> to vector<512x4096xf32>
    %reduce_min3A = arith.constant dense<0x7F800000> : vector<512xf32>
    %reduce_min3A_16 = vector.multi_reduction <minimumf>, %slice3A, %reduce_min3A [1] : vector<512x4096xf32> to vector<512xf32>
    %reduce_min3A_17 = arith.constant dense<0x7F800000> : vector<512xf32>
    %reduce_min3A_18 = vector.multi_reduction <minimumf>, %slice3A_15, %reduce_min3A_17 [1] : vector<512x4096xf32> to vector<512xf32>
    %iota3A = tpu.iota {dimensions = array<i32: 1>} : vector<512x4096xi32>
    %convert_element_type3A = arith.sitofp %iota3A : vector<512x4096xi32> to vector<512x4096xf32>
    %broadcast_in_dim3A = vector.shape_cast %reduce_min3A_16 : vector<512xf32> to vector<512x1xf32>
    %eq3A = vector.broadcast %broadcast_in_dim3A : vector<512x1xf32> to vector<512x4096xf32>
    %eq3A_19 = arith.cmpf oeq, %slice3A, %eq3A : vector<512x4096xf32>
    %jit3A = arith.constant 3.000000e+38 : f32
    %broadcast_in_dim3A_20 = vector.broadcast %jit3A : f32 to vector<512x4096xf32>
    %select_n3A = arith.select %eq3A_19, %convert_element_type3A, %broadcast_in_dim3A_20 : vector<512x4096xi1>, vector<512x4096xf32>
    %reduce_min3A_21 = arith.constant dense<0x7F800000> : vector<512xf32>
    %reduce_min3A_22 = vector.multi_reduction <minimumf>, %select_n3A, %reduce_min3A_21 [1] : vector<512x4096xf32> to vector<512xf32>
    %convert_element_type3A_23 = arith.fptosi %reduce_min3A_22 : vector<512xf32> to vector<512xi32>
    %broadcast_in_dim3A_24 = vector.shape_cast %reduce_min3A_18 : vector<512xf32> to vector<512x1xf32>
    %eq3A_25 = vector.broadcast %broadcast_in_dim3A_24 : vector<512x1xf32> to vector<512x4096xf32>
    %eq3A_26 = arith.cmpf oeq, %slice3A_15, %eq3A_25 : vector<512x4096xf32>
    %jit3A_27 = arith.constant 3.000000e+38 : f32
    %broadcast_in_dim3A_28 = vector.broadcast %jit3A_27 : f32 to vector<512x4096xf32>
    %select_n3A_29 = arith.select %eq3A_26, %convert_element_type3A, %broadcast_in_dim3A_28 : vector<512x4096xi1>, vector<512x4096xf32>
    %reduce_min3A_30 = arith.constant dense<0x7F800000> : vector<512xf32>
    %reduce_min3A_31 = vector.multi_reduction <minimumf>, %select_n3A_29, %reduce_min3A_30 [1] : vector<512x4096xf32> to vector<512xf32>
    %convert_element_type3A_32 = arith.fptosi %reduce_min3A_31 : vector<512xf32> to vector<512xi32>
    %add3A_33 = arith.constant 4096 : i32
    %add3A_34 = vector.broadcast %add3A_33 : i32 to vector<512xi32>
    %add3A_35 = arith.addi %convert_element_type3A_32, %add3A_34 : vector<512xi32>
    %convert_element_type3A_36 = arith.truncf %reduce_min3A_16 : vector<512xf32> to vector<512xbf16>
    %convert_element_type3A_37 = arith.extf %convert_element_type3A_36 : vector<512xbf16> to vector<512xf32>
    %lt3A = arith.cmpf olt, %reduce_min3A_18, %convert_element_type3A_37 : vector<512xf32>
    %select_n3A_38 = arith.select %lt3A, %add3A_35, %convert_element_type3A_23 : vector<512xi1>, vector<512xi32>
    %broadcast_in_dim3A_39 = vector.shape_cast %select_n3A_38 : vector<512xi32> to vector<512x1xi32>
    %swap3A = arith.constant 0 : index
    %swap3A_40 = arith.constant 0 : index
    %swap3A_41 = vector.load %arg5[%swap3A, %swap3A_40] : memref<512x1xi32, #tpu.memory_space<vmem>>, vector<512x1xi32>
    tpu.vector_store %arg5[%swap3A, %swap3A_40], %broadcast_in_dim3A_39 {strides = array<i32>} : memref<512x1xi32, #tpu.memory_space<vmem>>, vector<512x1xi32>,
    %select_n3A_42 = arith.select %lt3A, %reduce_min3A_18, %reduce_min3A_16 : vector<512xi1>, vector<512xf32>
    %reduce_sum3A = vector.shape_cast %select_n3A_42 : vector<512xf32> to vector<1x512xf32>
    %reduce_sum3A_43 = arith.constant dense<0.000000e+00> : vector<1xf32>
    %reduce_sum3A_44 = vector.multi_reduction <add>, %reduce_sum3A, %reduce_sum3A_43 [1] : vector<1x512xf32> to vector<1xf32>
    %reduce_sum3A_45 = vector.shape_cast %reduce_sum3A_44 : vector<1xf32> to vector<1x1xf32>
    %reduce_sum3A_46 = vector.extract %reduce_sum3A_45[0, 0] : f32 from vector<1x1xf32>
    %reshape3A = vector.broadcast %reduce_sum3A_46 : f32 to vector<1x1x1xf32>
    %swap3A_47 = arith.constant 0 : index
    %swap3A_48 = arith.constant 0 : index
    %swap3A_49 = arith.constant 0 : index
    %swap3A_50 = vector.load %arg6[%swap3A_47, %swap3A_48, %swap3A_49] : memref<1x1x1xf32, #tpu.memory_space<vmem>>, vector<1x1x1xf32>
    tpu.vector_store %arg6[%swap3A_47, %swap3A_48, %swap3A_49], %reshape3A {strides = array<i32>} : memref<1x1x1xf32, #tpu.memory_space<vmem>>, vector<1x1x1xf32>,
    return
  }
  func.func @transform_0(%arg0: i32) -> (i32, i32) {
    %c0_i32 = arith.constant 0 : i32
    %c0_i32_0 = arith.constant 0 : i32
    return %arg0, %c0_i32 : i32, i32
  }
  func.func @transform_1(%arg0: i32) -> (i32, i32) {
    %c0_i32 = arith.constant 0 : i32
    %c0_i32_0 = arith.constant 0 : i32
    return %arg0, %c0_i32 : i32, i32
  }
  func.func @transform_2(%arg0: i32) -> (i32, i32) {
    %c0_i32 = arith.constant 0 : i32
    %c0_i32_0 = arith.constant 0 : i32
    %c0_i32_1 = arith.constant 0 : i32
    return %c0_i32, %c0_i32_0 : i32, i32
  }
  func.func @transform_3(%arg0: i32) -> (i32, i32) {
    %c0_i32 = arith.constant 0 : i32
    %c0_i32_0 = arith.constant 0 : i32
    %c0_i32_1 = arith.constant 0 : i32
    return %c0_i32, %c0_i32_0 : i32, i32
  }
  func.func @transform_4(%arg0: i32) -> (i32, i32) {
    %c0_i32 = arith.constant 0 : i32
    %c0_i32_0 = arith.constant 0 : i32
    return %arg0, %c0_i32 : i32, i32
  }
  func.func @transform_5(%arg0: i32) -> (i32, i32, i32) {
    %c0_i32 = arith.constant 0 : i32
    %c0_i32_0 = arith.constant 0 : i32
    %c0_i32_1 = arith.constant 0 : i32
    return %arg0, %c0_i32, %c0_i32_0 : i32, i32, i32
  }
}

module attributes {stable_mosaic.version = 14 : i64} {
  func.func @_dec_body(%arg0: i32, %arg1: memref<8192x32xf32, #tpu.memory_space<vmem>>, %arg2: memref<32x96xf32, #tpu.memory_space<vmem>>, %arg3: memref<1x96xf32, #tpu.memory_space<vmem>>, %arg4: memref<128x1x1xf32, #tpu.memory_space<vmem>>, %arg5: memref<8192x128xf32, #tpu.memory_space<vmem>>, %arg6: memref<1x1xf32, #tpu.memory_space<vmem>>) attributes {dimension_semantics = [#tpu.dimension_semantics<arbitrary>], iteration_bounds = array<i64: 1>, scalar_prefetch = 0 : i64, scratch_operands = 0 : i64, tpu.core_type = #tpu.core_type<tc>, window_params = [{pipeline_mode = #tpu.pipeline_mode<synchronous>, transform_indices = @transform_0, window_bounds = array<i64: 8192, 32>}, {pipeline_mode = #tpu.pipeline_mode<synchronous>, transform_indices = @transform_1, window_bounds = array<i64: 32, 96>}, {pipeline_mode = #tpu.pipeline_mode<synchronous>, transform_indices = @transform_2, window_bounds = array<i64: 1, 96>}, {pipeline_mode = #tpu.pipeline_mode<synchronous>, transform_indices = @transform_3, window_bounds = array<i64: 128, 1, 1>}, {pipeline_mode = #tpu.pipeline_mode<synchronous>, transform_indices = @transform_4, window_bounds = array<i64: 8192, 128>}, {pipeline_mode = #tpu.pipeline_mode<synchronous>, transform_indices = @transform_5, window_bounds = array<i64: 1, 1>}]} {
    %get3A = arith.constant 0 : index
    %get3A_0 = arith.constant 0 : index
    %get3A_1 = vector.load %arg1[%get3A, %get3A_0] : memref<8192x32xf32, #tpu.memory_space<vmem>>, vector<8192x32xf32>
    %get3A_2 = arith.constant 0 : index
    %get3A_3 = arith.constant 0 : index
    %get3A_4 = vector.load %arg2[%get3A_2, %get3A_3] : memref<32x96xf32, #tpu.memory_space<vmem>>, vector<32x96xf32>
    %dot_general3A = arith.constant dense<0.000000e+00> : vector<8192x96xf32>
    %dot_general3A_5 = tpu.matmul %get3A_1, %get3A_4, %dot_general3A {dimension_numbers = #tpu.dot_dimension_numbers<[1], [0], [0], [1], [0, 0, 1, 1], [], []>, transpose_lhs_hint = false} : vector<8192x32xf32>, vector<32x96xf32>, vector<8192x96xf32> -> vector<8192x96xf32>
    %get3A_6 = arith.constant 0 : index
    %get3A_7 = arith.constant 0 : index
    %get3A_8 = vector.load %arg3[%get3A_6, %get3A_7] : memref<1x96xf32, #tpu.memory_space<vmem>>, vector<1x96xf32>
    %add3A = vector.broadcast %get3A_8 : vector<1x96xf32> to vector<8192x96xf32>
    %add3A_9 = arith.addf %dot_general3A_5, %add3A : vector<8192x96xf32>
    %concatenate3A = tpu.concatenate %get3A_1, %add3A_9 in 1 : vector<8192x32xf32>, vector<8192x96xf32> -> vector<8192x128xf32>
    %swap3A = arith.constant 0 : index
    %swap3A_10 = arith.constant 0 : index
    %swap3A_11 = vector.load %arg5[%swap3A, %swap3A_10] : memref<8192x128xf32, #tpu.memory_space<vmem>>, vector<8192x128xf32>
    tpu.vector_store %arg5[%swap3A, %swap3A_10], %concatenate3A {strides = array<i32>} : memref<8192x128xf32, #tpu.memory_space<vmem>>, vector<8192x128xf32>,
    %get3A_12 = arith.constant 0 : index
    %get3A_13 = arith.constant 0 : index
    %get3A_14 = arith.constant 0 : index
    %get3A_15 = vector.load %arg4[%get3A_12, %get3A_13, %get3A_14] : memref<128x1x1xf32, #tpu.memory_space<vmem>>, vector<128x1x1xf32>
    %reduce_sum3A = vector.shape_cast %get3A_15 : vector<128x1x1xf32> to vector<1x128x1x1xf32>
    %reduce_sum3A_16 = arith.constant dense<0.000000e+00> : vector<1xf32>
    %reduce_sum3A_17 = vector.multi_reduction <add>, %reduce_sum3A, %reduce_sum3A_16 [1, 2, 3] : vector<1x128x1x1xf32> to vector<1xf32>
    %reduce_sum3A_18 = vector.shape_cast %reduce_sum3A_17 : vector<1xf32> to vector<1x1x1x1xf32>
    %reduce_sum3A_19 = vector.extract %reduce_sum3A_18[0, 0, 0, 0] : f32 from vector<1x1x1x1xf32>
    %reshape3A = vector.broadcast %reduce_sum3A_19 : f32 to vector<1x1xf32>
    %swap3A_20 = arith.constant 0 : index
    %swap3A_21 = arith.constant 0 : index
    %swap3A_22 = vector.load %arg6[%swap3A_20, %swap3A_21] : memref<1x1xf32, #tpu.memory_space<vmem>>, vector<1x1xf32>
    tpu.vector_store %arg6[%swap3A_20, %swap3A_21], %reshape3A {strides = array<i32>} : memref<1x1xf32, #tpu.memory_space<vmem>>, vector<1x1xf32>,
    return
  }
  func.func @transform_0(%arg0: i32) -> (i32, i32) {
    %c0_i32 = arith.constant 0 : i32
    %c0_i32_0 = arith.constant 0 : i32
    %c0_i32_1 = arith.constant 0 : i32
    return %c0_i32, %c0_i32_0 : i32, i32
  }
  func.func @transform_1(%arg0: i32) -> (i32, i32) {
    %c0_i32 = arith.constant 0 : i32
    %c0_i32_0 = arith.constant 0 : i32
    %c0_i32_1 = arith.constant 0 : i32
    return %c0_i32, %c0_i32_0 : i32, i32
  }
  func.func @transform_2(%arg0: i32) -> (i32, i32) {
    %c0_i32 = arith.constant 0 : i32
    %c0_i32_0 = arith.constant 0 : i32
    %c0_i32_1 = arith.constant 0 : i32
    return %c0_i32, %c0_i32_0 : i32, i32
  }
  func.func @transform_3(%arg0: i32) -> (i32, i32, i32) {
    %c0_i32 = arith.constant 0 : i32
    %c0_i32_0 = arith.constant 0 : i32
    %c0_i32_1 = arith.constant 0 : i32
    %c0_i32_2 = arith.constant 0 : i32
    return %c0_i32, %c0_i32_0, %c0_i32_1 : i32, i32, i32
  }
  func.func @transform_4(%arg0: i32) -> (i32, i32) {
    %c0_i32 = arith.constant 0 : i32
    %c0_i32_0 = arith.constant 0 : i32
    %c0_i32_1 = arith.constant 0 : i32
    return %c0_i32, %c0_i32_0 : i32, i32
  }
  func.func @transform_5(%arg0: i32) -> (i32, i32) {
    %c0_i32 = arith.constant 0 : i32
    %c0_i32_0 = arith.constant 0 : i32
    %c0_i32_1 = arith.constant 0 : i32
    return %c0_i32, %c0_i32_0 : i32, i32
  }
}

</mosaic_0001>

<sc_bundles>
// kernel: vq_gather.3.cloned.1.call-start
scs
__scs_entry_jumppad:
0x0: {  	(pc) =	sbr.rel $0x88, $3  }
0x1: {  	(tag) =	ssettag $0x0;
	lr =	simm.s32 $0x1  }
0x2: {  	[smem:$0x3F9B] =	sst lr;
	_ =	strace $0xD0000000  }
0x3: {  	_ = 	snop  }
0x4: {  	_ = 	snop  }
0x5: {  	_ = 	snop  }
0x6: {  	_ = 	snop  }
0x7: {  	_ = 	snop  }
__scs_overlays_trampoline_lowered:
0x8: {  	[smem:$0x3FAA] =	sst s0  }
0x9: {  	[smem:$0x3FAB] =	sst s1  }
0xa: {  	[smem:$0x3FAC] =	sst s2  }
0xb: {  	[smem:$0x3FAD] =	sst s3  }
0xc: {  	[smem:$0x3FAE] =	sst s4  }
0xd: {  	[smem:$0x3FAF] =	sst s5  }
0xe: {  	[smem:$0x3FB0] =	sst s6  }
0xf: {  	[smem:$0x3FB1] =	sst s7  }
0x10: {  	[smem:$0x3FB2] =	sst s8  }
0x11: {  	[smem:$0x3FB3] =	sst s9;
	s0 =	simm.s32 @!p0 $0x0  }
0x12: {  	s1 =	sld [smem:$0x3F99];
	s0 =	simm.s32 @p0 $0x1  }
0x13: {  	[smem:$0x3FB4] =	sst s0;
	s0 =	simm.s32 @!p1 $0x0  }
0x14: {  	s2 =	sld [smem:$0x3F98];
	s0 =	simm.s32 @p1 $0x1  }
0x15: {  	[smem:$0x3FB5] =	sst s0;
	s0 =	simm.s32 @!p2 $0x0  }
0x16: {  	s3 =	sld [smem:$0x3FDB];
	s0 =	simm.s32 @p2 $0x1  }
0x17: {  	s4 =	simm.s32 $0x1BF5;
	[smem:$0x3FB7] =	sst s0  }
0x18: {  	s0 =	sld [smem:$0x3F9A];
	_ =	swait.ge [sflag:s4], $0x0  }
0x19: {  	s7 =	sld [smem:$0x3F9B]  }
0x1a: {  	s8 =	sadd.s32 $0xFFFFE003, lr  }
0x1b: {  	s9 =	sadd.s32 $0xFFFFFEF7, lr;
	s5 =	simm.s32 $0xFFFFFFFF;
	p2 =	slt.u32 s8, $0xFFFFF086  }
0x1c: {  	p1 =	slt.u32 s9, $0xF7A;
	s5 =	simm.s32 @!p2 $0x0  }
0x1d: {  	s5 =	simm.s32 @p1 $0x1;
	p0 =	seq.s32 s7, s2  }
0x1e: {  	s7 =	smul.u32 @!p0 $0xF7A, s2;
	p2 =	seq.s32 @!p0 s5, $0x0  }
0x1f: {  	s9 =	smul.u32 $0xF7A, s1;
	s8 =	simm.s32 @!p0 $0x1BF5;
	p2 =	por !p2, p0  }
0x20: {  	[sflag:s8] =	ssyncset.s32 @!p0 $0xFFFFF086;
	s6 =	sadd.s32 @!p0 s3, s7;
	s7 =	simm.s32 @!p0 $0x108  }
0x21: {  	s3 =	sadd.s32 s3, s9;
	s6 =	sadd.s32 @!p0 $0x88, s6;
	s7 =	simm.s32 @p2 $0x1082  }
0x22: {  	[simem:s7], [sflag:s8] =	dma.local @!p0 [hbm:s6], $0xF7A  }
0x23: {  	s9 =	sor.u32 $0xD0000000, s2;
	s6 =	simm.s32 $0x108;
	_ =	swait.ge @!p0 [sflag:s8], $0x0  }
0x24: {  	s3 =	sadd.s32 $0x88, s3;
	s6 =	simm.s32 @!p1 $0x1082;
	[sflag:s4] =	ssyncset.s32 $0xFFFFF086  }
0x25: {  	[simem:s6], [sflag:s4] =	dma.local [hbm:s3], $0xF7A  }
0x26: {  	[smem:$0x3F9B] =	sst s1;
	(tag) =	ssettag s2;
	_ =	strace s9  }
0x27: {  	s1 =	sld [smem:$0x3FAB]  }
0x28: {  	s2 =	sld [smem:$0x3FAC]  }
0x29: {  	s4 =	sld [smem:$0x3FAE]  }
0x2a: {  	p0 =	seq.s32 s5, $0x0;
	s5 =	sld [smem:$0x3FAF]  }
0x2b: {  	s6 =	sld [smem:$0x3FB0]  }
0x2c: {  	s7 =	sld [smem:$0x3FB1]  }
0x2d: {  	s3 =	simm.s32 $0x108;
	s8 =	sld [smem:$0x3FB2]  }
0x2e: {  	s3 =	simm.s32 @!p0 $0x1082;
	s9 =	sld [smem:$0x3FB3]  }
0x2f: {  	lr =	sadd.s32 s0, s3;
	s0 =	sld [smem:$0x3FAA]  }
0x30: {  	s3 =	sld [smem:$0x3FAD]  }
0x31: {  	[smem:$0x3FB6] =	sst s10  }
0x32: {  	s10 =	sld [smem:$0x3FB4];
	_ =	sdelay $0x3  }
0x33: {  	p0 =	seq.s32 s10, $0x1;
	s10 =	sld [smem:$0x3FB6];
	_ =	sdelay $0x3  }
0x34: {  	[smem:$0x3FB6] =	sst s10  }
0x35: {  	s10 =	sld [smem:$0x3FB5];
	_ =	sdelay $0x3  }
0x36: {  	p1 =	seq.s32 s10, $0x1;
	s10 =	sld [smem:$0x3FB6];
	_ =	sdelay $0x3  }
0x37: {  	[smem:$0x3FB6] =	sst s10  }
0x38: {  	s10 =	sld [smem:$0x3FB7]  }
0x39: {  	_ = 	snop;
	(pc) =	sbr.ind lr, $3  }
0x3a: {  	_ = 	snop  }
0x3b: {  	_ = 	snop  }
0x3c: {  	p2 =	seq.s32 s10, $0x1;
	s10 =	sld [smem:$0x3FB6]  }
0x3d: {  	_ =	shalt  }
0x3e: {  	_ =	shalt  }
0x3f: {  	_ =	shalt  }
0x40: {  	_ =	shalt  }
0x41: {  	_ =	shalt  }
0x42: {  	_ =	shalt  }
0x43: {  	_ =	shalt  }
0x44: {  	_ =	shalt  }
0x45: {  	_ =	shalt  }
0x46: {  	_ =	shalt  }
0x47: {  	_ =	shalt  }
0x48: {  	_ =	shalt  }
0x49: {  	_ =	shalt  }
0x4a: {  	_ =	shalt  }
0x4b: {  	_ =	shalt  }
0x4c: {  	_ =	shalt  }
0x4d: {  	_ =	shalt  }
0x4e: {  	_ =	shalt  }
0x4f: {  	_ =	shalt  }
0x50: {  	_ =	shalt  }
0x51: {  	_ =	shalt  }
0x52: {  	_ =	shalt  }
0x53: {  	_ =	shalt  }
0x54: {  	_ =	shalt  }
0x55: {  	_ =	shalt  }
0x56: {  	_ =	shalt  }
0x57: {  	_ =	shalt  }
0x58: {  	_ =	shalt  }
0x59: {  	_ =	shalt  }
0x5a: {  	_ =	shalt  }
0x5b: {  	_ =	shalt  }
0x5c: {  	_ =	shalt  }
0x5d: {  	_ =	shalt  }
0x5e: {  	_ =	shalt  }
0x5f: {  	_ =	shalt  }
0x60: {  	_ =	shalt  }
0x61: {  	_ =	shalt  }
0x62: {  	_ =	shalt  }
0x63: {  	_ =	shalt  }
0x64: {  	_ =	shalt  }
0x65: {  	_ =	shalt  }
0x66: {  	_ =	shalt  }
0x67: {  	_ =	shalt  }
0x68: {  	_ =	shalt  }
0x69: {  	_ =	shalt  }
0x6a: {  	_ =	shalt  }
0x6b: {  	_ =	shalt  }
0x6c: {  	_ =	shalt  }
0x6d: {  	_ =	shalt  }
0x6e: {  	_ =	shalt  }
0x6f: {  	_ =	shalt  }
0x70: {  	_ =	shalt  }
0x71: {  	_ =	shalt  }
0x72: {  	_ =	shalt  }
0x73: {  	_ =	shalt  }
0x74: {  	_ =	shalt  }
0x75: {  	_ =	shalt  }
0x76: {  	_ =	shalt  }
0x77: {  	_ =	shalt  }
0x78: {  	_ =	shalt  }
0x79: {  	_ =	shalt  }
0x7a: {  	_ =	shalt  }
0x7b: {  	_ =	shalt  }
0x7c: {  	_ =	shalt  }
0x7d: {  	_ =	shalt  }
0x7e: {  	_ =	shalt  }
0x7f: {  	_ =	shalt  }
0x80: {  	_ =	shalt  }
0x81: {  	_ =	shalt  }
0x82: {  	_ =	shalt  }
0x83: {  	_ =	shalt  }
0x84: {  	_ =	shalt  }
0x85: {  	_ =	shalt  }
0x86: {  	_ =	shalt  }
0x87: {  	_ =	shalt  }
.Lfunc_end0:
.L_simem_size_0:
called_computation_lowered:
.L_overlay_start_0:
0x88: {  	s2 =	sld [smem:$0x3FD9]  }
0x89: {  	s3 =	sld [smem:$0x3FFE];
	_ =	sdelay $0x1  }
0x8a: {  	s1 =	srdreg.scid  }
0x8b: {  	s0 =	sand.u32 $0x1, s1  }
0x8c: {  	s14 =	sshll.u32 s0, $0xA;
	s2 =	sadd.s32 s3, s2  }
0x8d: {  	s2 =	sadd.s32 s2, s14  }
0x8e: {  	[smem:$0x3FC2] =	sst s2  }
0x8f: {  	_ = 	snop  }
0x90: {  	s2 =	sld [smem:$0x3FD0];
	_ =	sdelay $0x2  }
0x91: {  	s15 =	simm.s32 $0xA;
	s4 =	simm.s32 $0x10  }
0x92: {  	[smem:s4], [sflag:s15] =	dma.local [hbm:s2], $0x1  }
0x93: {  	_ =	swait.eq [sflag:s15], $0x1  }
0x94: {  	[sflag:s15] =	ssyncset.done $0x0  }
0x95: {  	s16 =	sld [smem:$0x11];
	[sflag:s15] =	ssyncadd.s32 $0xFFFFFFFF  }
0x96: {  	s17 =	sld [smem:$0x14];
	(tm) =	ssettm $0x1  }
0x97: {  	s18 =	sld [smem:$0x3FFB];
	_ =	sdelay $0x3  }
0x98: {  	_ =	strace s18  }
0x99: {  	s4 =	sld [smem:$0x3FFC];
	_ =	sdelay $0x3  }
0x9a: {  	_ =	strace s4  }
0x9b: {  	s4 =	sld [smem:$0x3FFD];
	_ =	sdelay $0x3  }
0x9c: {  	_ =	strace s4  }
0x9d: {  	_ =	strace $0x8FFFFFFF  }
0x9e: {  	s19 =	sld [smem:$0x3FDB];
	_ =	sdelay $0x1  }
0x9f: {  	s5 =	simm.s32 $_scs_section_size  }
0xa0: {  	s6 =	simm.s32 $_size__tile_overlayer_lowered;
	s7 =	simm.s32 $_tile_overlayer_lowered  }
0xa1: {  	s22 =	simm.s32 $0x1BFF;
	s21 =	sshll.u32 s7, $0x1;
	s4 =	sadd.s32 s5, s19  }
0xa2: {  	s8 =	simm.s32 $0x0;
	s20 =	sshll.u32 s6, $0x1;
	s6 =	sadd.s32 s21, s4  }
0xa3: {  	[timem:s8], [sflag:s22] =	dma.local [hbm:s6], s20  }
0xa4: {  	_ =	swait.ge [sflag:s22], s20  }
0xa5: {  	s5 =	ssub.s32 $0x0, s20;
	[sflag:s22] =	ssyncset.done $0x0  }
0xa6: {  	[sflag:s22] =	ssyncadd.s32 s5;
	_ =	sdelay $0x1  }
0xa7: {  	s23 =	simm.s32 $0x1B8B  }
0xa8: {  	_ =	swait.ge [sflag:s23], $0x1  }
0xa9: {  	[sflag:s23] =	ssyncset.done $0x0  }
0xaa: {  	s25 =	simm.s32 $0x1B8E;
	s24 =	sld [smem:$0x3FFE];
	[sflag:s23] =	ssyncadd.s32 $0xFFFFFFFF  }
0xab: {  	s26 =	simm.s32 $execute0_lowered;
	[smem:$0x3FD2] =	sst s25  }
0xac: {  	s6 =	sshll.u32 s26, $0x1;
	_ =	strace $0x80000046;
	[dreg:$0x1] =	wrdreg $0xFFFFFFFF  }
0xad: {  	s28 =	simm.s32 $_size_execute0_lowered;
	s4 =	sadd.s32 s4, s6;
	[dreg:$0x0] =	wrdreg $0x0  }
0xae: {  	s6 =	sshll.u32 s28, $0x1;
	[dreg:$0x2] =	wrdreg s4  }
0xaf: {  	[dreg:$0x3] =	wrdreg s6  }
0xb0: {  	[dreg:$0x4] =	wrdreg $0xC0  }
0xb1: {  	_ =	task [dreg:s8], $0x5FFFF  }
0xb2: {  	[dreg:$0x1] =	wrdreg $0xFFFFFFFF  }
0xb3: {  	[dreg:$0x0] =	wrdreg $0x60  }
0xb4: {  	[dreg:$0x2] =	wrdreg s16  }
0xb5: {  	[dreg:$0x3] =	wrdreg s17  }
0xb6: {  	[dreg:$0x4] =	wrdreg s24  }
0xb7: {  	[dreg:$0x5] =	wrdreg $0x9  }
0xb8: {  	_ =	task.clear_ibuf [dreg:s8], $0x6FFFF;
	_ =	strace $0x90000046  }
0xb9: {  	s29 =	simm.s32 $0x9;
	_ =	strace $0x80000048  }
0xba: {  	_ =	swait.ge [sflag:s29], $0x1  }
0xbb: {  	[sflag:s29] =	ssyncadd.s32 $0xFFFFFFFF  }
0xbc: {  	_ =	strace $0x90000048  }
0xbd: {  	_ =	sfence  }
0xbe: {  	s30 =	sld [smem:$0x0];
	_ =	sdelay $0x2  }
0xbf: {  	s31 =	sshll.u32 s1, $0xD;
	s1 =	sshrl.u32 s1, $0x2  }
0xc0: {  	s3 =	sand.u32 $0x4000, s31;
	s1 =	sadd.s32 s1, s30  }
0xc1: {  	s0 =	sor.u32 s3, s0;
	s1 =	sshll.u32 s1, $0x11  }
0xc2: {  	s0 =	sor.u32 s1, s0  }
0xc3: {  	s0 =	sadd.s32 $0x8F2B, s0  }
0xc4: {  	[sflag:s0] =	ssyncadd.remote.s32 $0x1  }
0xc5: {  	_ =	sfence.sel $0xFFFF  }
0xc6: {  	[dreg:$0x0] =	wrdreg $0xFFFFFFFF;
	(pc) =	sbr.abs _section_cstart, $3  }
0xc7: {  	[dreg:$0x1] =	wrdreg $0xFFFFFFFF  }
0xc8: {  	_ =	task.clear_ibuf [dreg:s8], $0x2FFFF;
	_ =	strace $0x9FFFFFFF  }
0xc9: {  	(tm) =	ssettm $0x7FFFFFFF  }
tec
execute0_lowered:
.L_overlay_start_1:
0x0: {  	(tag) =	ssettag $0x1  }
0x1: {  	s1 =	rddreg [dreg:$0x0];
	s2 =	srdreg.scid  }
0x2: {  	s13 =	rddreg [dreg:$0x1];
	s0 =	stileid.u32;
	s15 =	sand.u32 $0x1, s2  }
0x3: {  	s14 =	rddreg [dreg:$0x2];
	s4 =	sshll.u32 s0, $0xC;
	s5 =	sshll.u32 s15, $0xB  }
0x4: {  	s3 =	simm.s32 $0x0;
	s2 =	rddreg [dreg:$0x3];
	s16 =	sor.u32 s5, s4  }
0x5: {  	[smem:$0x7FF] =	sst s3;
	s4 =	sshrl.u32 s16, $0x3  }
0x6: {  	_ =	strace $0x80000047;
	s5 =	sadd.s32 s13, s4;
	s4 =	simm.s32 $0x2  }
0x7: {  	[tilespmem:s3], [sflag:$0x2] =	stream.linear.gather [hbm4b:s5+s3], $0x200, $0x38;
	[tilespmem:$0x10200] =	vst v63  }
0x8: {  	_ =	swait.ge [sflag:s4], $0x200  }
0x9: {  	[sflag:s4] =	ssyncset.done $0x0  }
0xa: {  	s6 =	simm.s32 $0x200;
	s7 =	simm.s32 $0x1;
	[sflag:s4] =	ssyncadd.s32 $0xFFFFFE00  }
0xb: {  	[tilespmem:s6], [sflag:$0x1] =	stream.indirect.gather [hbm4b:s1+s6], $0x80, s3, s6, $0xb8;
	[tilespmem:$0x10200] =	vst v63  }
0xc: {  	_ =	swait.ge [sflag:s7], $0x10000  }
0xd: {  	s8 =	sshll.u32 s16, $0x4;
	[sflag:s7] =	ssyncset.done $0x0  }
0xe: {  	s8 =	sadd.s32 s14, s8;
	[sflag:s7] =	ssyncadd.s32 $0xFFFF0000  }
0xf: {  	[hbm4b:s8+s3] =	stream.linear.scatter [tilespmem:s6], [sflag:$0x2], $0x10000, $0x38;
	[tilespmem:$0x10200] =	vst v63  }
0x10: {  	s10 =	sor.u32 $0x200, s16;
	_ =	swait.ge [sflag:s4], $0x10000  }
0x11: {  	s9 =	sshrl.u32 s10, $0x3;
	[sflag:s4] =	ssyncset.done $0x0  }
0x12: {  	s9 =	sadd.s32 s13, s9;
	[sflag:s4] =	ssyncadd.s32 $0xFFFF0000  }
0x13: {  	[tilespmem:s3], [sflag:$0x2] =	stream.linear.gather [hbm4b:s9+s3], $0x200, $0x38;
	[tilespmem:$0x10200] =	vst v63  }
0x14: {  	_ =	swait.ge [sflag:s4], $0x200  }
0x15: {  	[sflag:s4] =	ssyncset.done $0x0  }
0x16: {  	[sflag:s4] =	ssyncadd.s32 $0xFFFFFE00  }
0x17: {  	[tilespmem:s6], [sflag:$0x1] =	stream.indirect.gather [hbm4b:s1+s6], $0x80, s3, s6, $0xb8;
	[tilespmem:$0x10200] =	vst v63  }
0x18: {  	_ =	swait.ge [sflag:s7], $0x10000  }
0x19: {  	s10 =	sshll.u32 s10, $0x4;
	[sflag:s7] =	ssyncset.done $0x0  }
0x1a: {  	s10 =	sadd.s32 s14, s10;
	[sflag:s7] =	ssyncadd.s32 $0xFFFF0000  }
0x1b: {  	[hbm4b:s10+s3] =	stream.linear.scatter [tilespmem:s6], [sflag:$0x2], $0x10000, $0x38;
	[tilespmem:$0x10200] =	vst v63  }
0x1c: {  	s12 =	sor.u32 $0x400, s16;
	_ =	swait.ge [sflag:s4], $0x10000  }
0x1d: {  	s11 =	sshrl.u32 s12, $0x3;
	[sflag:s4] =	ssyncset.done $0x0  }
0x1e: {  	s11 =	sadd.s32 s13, s11;
	[sflag:s4] =	ssyncadd.s32 $0xFFFF0000  }
0x1f: {  	[tilespmem:s3], [sflag:$0x2] =	stream.linear.gather [hbm4b:s11+s3], $0x200, $0x38;
	[tilespmem:$0x10200] =	vst v63  }
0x20: {  	_ =	swait.ge [sflag:s4], $0x200  }
0x21: {  	[sflag:s4] =	ssyncset.done $0x0  }
0x22: {  	[sflag:s4] =	ssyncadd.s32 $0xFFFFFE00  }
0x23: {  	[tilespmem:s6], [sflag:$0x1] =	stream.indirect.gather [hbm4b:s1+s6], $0x80, s3, s6, $0xb8;
	[tilespmem:$0x10200] =	vst v63  }
0x24: {  	_ =	swait.ge [sflag:s7], $0x10000  }
0x25: {  	s12 =	sshll.u32 s12, $0x4;
	[sflag:s7] =	ssyncset.done $0x0  }
0x26: {  	s12 =	sadd.s32 s14, s12;
	[sflag:s7] =	ssyncadd.s32 $0xFFFF0000  }
0x27: {  	[hbm4b:s12+s3] =	stream.linear.scatter [tilespmem:s6], [sflag:$0x2], $0x10000, $0x38;
	[tilespmem:$0x10200] =	vst v63  }
0x28: {  	s16 =	sor.u32 $0x600, s16;
	_ =	swait.ge [sflag:s4], $0x10000  }
0x29: {  	s17 =	sshrl.u32 s16, $0x3;
	[sflag:s4] =	ssyncset.done $0x0  }
0x2a: {  	s15 =	ssub.s32 $0x2, s15;
	s13 =	sadd.s32 s13, s17;
	[sflag:s4] =	ssyncadd.s32 $0xFFFF0000  }
0x2b: {  	[tilespmem:s3], [sflag:$0x2] =	stream.linear.gather [hbm4b:s13+s3], $0x200, $0x38;
	[tilespmem:$0x10200] =	vst v63  }
0x2c: {  	s31 =	sshrl.u32 s15, $0x1;
	_ =	swait.ge [sflag:s4], $0x200  }
0x2d: {  	s15 =	ssub.s32 s15, s31;
	[sflag:s4] =	ssyncset.done $0x0  }
0x2e: {  	s15 =	smax.u32 s15, $0x1;
	[sflag:s4] =	ssyncadd.s32 $0xFFFFFE00  }
0x2f: {  	[tilespmem:s6], [sflag:$0x1] =	stream.indirect.gather [hbm4b:s1+s6], $0x80, s3, s6, $0xb8;
	[tilespmem:$0x10200] =	vst v63  }
0x30: {  	p0 =	sne.s32 s15, $0x1;
	_ =	swait.ge [sflag:s7], $0x10000  }
.Ltmp0:
0x31: {  	s16 =	sshll.u32 s16, $0x4;
	[sflag:s7] =	ssyncset.done $0x0;
	(pc) =	sbr.rel @!p0 .LBB2_2-.Ltmp0, $4  }
0x32: {  	s14 =	sadd.s32 s14, s16;
	[sflag:s7] =	ssyncadd.s32 $0xFFFF0000  }
0x33: {  	[hbm4b:s14+s3] =	stream.linear.scatter [tilespmem:s6], [sflag:$0x2], $0x10000, $0x38;
	[tilespmem:$0x10200] =	vst v63  }
0x34: {  	_ =	swait.ge [sflag:s4], $0x10000  }
0x35: {  	s15 =	sadd.s32 $0xFFFFFFFF, s15;
	[sflag:s4] =	ssyncset.done $0x0  }
.LBB2_1:
0x36: {  	p0 =	sne.s32 s15, $0x1;
	s15 =	sadd.s32 $0xFFFFFFFF, s15;
	[sflag:s4] =	ssyncadd.s32 $0xFFFF0000  }
0x37: {  	[tilespmem:s3], [sflag:$0x2] =	stream.linear.gather [hbm4b:s5+s3], $0x200, $0x38;
	[tilespmem:$0x10200] =	vst v63  }
0x38: {  	_ =	swait.ge [sflag:s4], $0x200  }
0x39: {  	[sflag:s4] =	ssyncset.done $0x0  }
0x3a: {  	[sflag:s4] =	ssyncadd.s32 $0xFFFFFE00  }
0x3b: {  	[tilespmem:s6], [sflag:$0x1] =	stream.indirect.gather [hbm4b:s1+s6], $0x80, s3, s6, $0xb8;
	[tilespmem:$0x10200] =	vst v63  }
0x3c: {  	_ =	swait.ge [sflag:s7], $0x10000  }
0x3d: {  	[sflag:s7] =	ssyncset.done $0x0  }
0x3e: {  	[sflag:s7] =	ssyncadd.s32 $0xFFFF0000  }
0x3f: {  	[hbm4b:s8+s3] =	stream.linear.scatter [tilespmem:s6], [sflag:$0x2], $0x10000, $0x38;
	[tilespmem:$0x10200] =	vst v63  }
0x40: {  	_ =	swait.ge [sflag:s4], $0x10000  }
0x41: {  	[sflag:s4] =	ssyncset.done $0x0  }
0x42: {  	[sflag:s4] =	ssyncadd.s32 $0xFFFF0000  }
0x43: {  	[tilespmem:s3], [sflag:$0x2] =	stream.linear.gather [hbm4b:s9+s3], $0x200, $0x38;
	[tilespmem:$0x10200] =	vst v63  }
0x44: {  	_ =	swait.ge [sflag:s4], $0x200  }
0x45: {  	[sflag:s4] =	ssyncset.done $0x0  }
0x46: {  	[sflag:s4] =	ssyncadd.s32 $0xFFFFFE00  }
0x47: {  	[tilespmem:s6], [sflag:$0x1] =	stream.indirect.gather [hbm4b:s1+s6], $0x80, s3, s6, $0xb8;
	[tilespmem:$0x10200] =	vst v63  }
0x48: {  	_ =	swait.ge [sflag:s7], $0x10000  }
0x49: {  	[sflag:s7] =	ssyncset.done $0x0  }
0x4a: {  	[sflag:s7] =	ssyncadd.s32 $0xFFFF0000  }
0x4b: {  	[hbm4b:s10+s3] =	stream.linear.scatter [tilespmem:s6], [sflag:$0x2], $0x10000, $0x38;
	[tilespmem:$0x10200] =	vst v63  }
0x4c: {  	_ =	swait.ge [sflag:s4], $0x10000  }
0x4d: {  	[sflag:s4] =	ssyncset.done $0x0  }
0x4e: {  	[sflag:s4] =	ssyncadd.s32 $0xFFFF0000  }
0x4f: {  	[tilespmem:s3], [sflag:$0x2] =	stream.linear.gather [hbm4b:s11+s3], $0x200, $0x38;
	[tilespmem:$0x10200] =	vst v63  }
0x50: {  	_ =	swait.ge [sflag:s4], $0x200  }
0x51: {  	[sflag:s4] =	ssyncset.done $0x0  }
0x52: {  	[sflag:s4] =	ssyncadd.s32 $0xFFFFFE00  }
0x53: {  	[tilespmem:s6], [sflag:$0x1] =	stream.indirect.gather [hbm4b:s1+s6], $0x80, s3, s6, $0xb8;
	[tilespmem:$0x10200] =	vst v63  }
0x54: {  	_ =	swait.ge [sflag:s7], $0x10000  }
0x55: {  	[sflag:s7] =	ssyncset.done $0x0  }
0x56: {  	[sflag:s7] =	ssyncadd.s32 $0xFFFF0000  }
0x57: {  	[hbm4b:s12+s3] =	stream.linear.scatter [tilespmem:s6], [sflag:$0x2], $0x10000, $0x38;
	[tilespmem:$0x10200] =	vst v63  }
0x58: {  	_ =	swait.ge [sflag:s4], $0x10000  }
0x59: {  	[sflag:s4] =	ssyncset.done $0x0  }
0x5a: {  	[sflag:s4] =	ssyncadd.s32 $0xFFFF0000  }
0x5b: {  	[tilespmem:s3], [sflag:$0x2] =	stream.linear.gather [hbm4b:s13+s3], $0x200, $0x38;
	[tilespmem:$0x10200] =	vst v63  }
0x5c: {  	_ =	swait.ge [sflag:s4], $0x200  }
0x5d: {  	[sflag:s4] =	ssyncset.done $0x0  }
0x5e: {  	[sflag:s4] =	ssyncadd.s32 $0xFFFFFE00  }
0x5f: {  	[tilespmem:s6], [sflag:$0x1] =	stream.indirect.gather [hbm4b:s1+s6], $0x80, s3, s6, $0xb8;
	[tilespmem:$0x10200] =	vst v63  }
0x60: {  	_ =	swait.ge [sflag:s7], $0x10000  }
.Ltmp1:
0x61: {  	[sflag:s7] =	ssyncset.done $0x0;
	(pc) =	sbr.rel @p0 .LBB2_1-.Ltmp1, $4  }
0x62: {  	[sflag:s7] =	ssyncadd.s32 $0xFFFF0000  }
0x63: {  	[hbm4b:s14+s3] =	stream.linear.scatter [tilespmem:s6], [sflag:$0x2], $0x10000, $0x38;
	[tilespmem:$0x10200] =	vst v63  }
0x64: {  	_ =	swait.ge [sflag:s4], $0x10000  }
0x65: {  	[sflag:s4] =	ssyncset.done $0x0  }
.LBB2_2:
0x66: {  	[sflag:s4] =	ssyncadd.s32 $0xFFFF0000  }
0x67: {  	_ =	sfence.sel $0x180000  }
0x68: {  	[bflag:$0x0] =	sbarrier.arrive $0xFFFF  }
0x69: {  	p0 =	sne.s32 s0, $0x0;
	_ =	strace $0x90000047  }
0x6a: {  	s0 =	sadd.s32 @!p0 $0x100000, s2;
	[bflag:$0x2] =	sbarrier.arrive $0xFFFF  }
0x6b: {  	[sflag:s0] =	ssyncadd.tile.s32 @!p0 $0x1;
	_ =	shalt  }
.Lfunc_end2:
_tile_overlayer_lowered:
.L_overlay_start_2:
0x6c: {  	(tag) =	ssettag $0x2  }
0x6d: {  	s0 =	rddreg [dreg:$0x0];
	s2 =	stileid.u32  }
0x6e: {  	s1 =	rddreg [dreg:$0x1];
	p0 =	sne.s32 s2, $0x0  }
0x6f: {  	s3 =	rddreg [dreg:$0x2];
	[bflag:$0x3] =	sbarrier.arrive $0xFFFF;
	s2 =	simm.s32 @!p0 $0x1C02  }
0x70: {  	[timem:s3], [sflag:s2] =	dma.local @!p0 [hbm:s0], s1  }
0x71: {  	s0 =	simm.s32 @!p0 $0x2  }
0x72: {  	_ =	swait.ge @!p0 [sflag:s0], s1  }
0x73: {  	s1 =	ssub.s32 @!p0 $0x0, s1;
	[sflag:s0] =	ssyncset.done @!p0 $0x0  }
0x74: {  	[sflag:s0] =	ssyncadd.s32 @!p0 s1  }
0x75: {  	[bflag:$0x3] =	sbarrier.arrive $0xFFFF  }
0x76: {  	_ =	shalt  }

</sc_bundles>
